<compile_context>
chip_gen: v7x
topology: tpu7x:2x2x1
jax: 0.10.2.dev20260603
libtpu: 0.0.44.dev20260713+nightly
codegen_flags: <defaults>
</compile_context>

<pallas_src>
import functools

import jax
import jax.numpy as jnp
from jax import lax
from jax.experimental import pallas as pl
from jax.experimental.pallas import tpu as pltpu
from jax.experimental.pallas import tpu_sc as plsc

_N = 10000
_E = 320000
_NT = 10112
_EP = 32 * 128 * 80

_f32 = jnp.float32



def _edge_mm_body(ea_ref, we1_ref, we2_ref, e1_ref, e2_ref):
    ea = ea_ref[...]
    e1_ref[...] = jnp.dot(ea, we1_ref[...], preferred_element_type=_f32)
    e2_ref[...] = jnp.dot(ea, we2_ref[...], preferred_element_type=_f32)


def _edge_mm(eap, We1, We2):
    B = 2048
    return pl.pallas_call(
        _edge_mm_body,
        grid=(_EP // B,),
        in_specs=[
            pl.BlockSpec((B, 16), lambda i: (i, 0)),
            pl.BlockSpec((16, 64), lambda i: (0, 0)),
            pl.BlockSpec((16, 64), lambda i: (0, 0)),
        ],
        out_specs=[
            pl.BlockSpec((B, 64), lambda i: (i, 0)),
            pl.BlockSpec((B, 64), lambda i: (i, 0)),
        ],
        out_shape=[jax.ShapeDtypeStruct((_EP, 64), _f32)] * 2,
    )(eap, We1, We2)


def _prep1_body(x_ref, a_ref, wl_ref, bl_ref, wr_ref, br_ref,
                we_ref, a1m_ref, xl_ref, g_ref, la_ref):
    x = x_ref[...]
    a = a_ref[...]
    la = a[:, :16] / jnp.maximum(a[:, 16:17], 1.0)
    la_ref[...] = la
    xl = jnp.dot(x, wl_ref[...], preferred_element_type=_f32) + bl_ref[...]
    xr = jnp.dot(x, wr_ref[...], preferred_element_type=_f32) + br_ref[...]
    el = jnp.dot(la, we_ref[...], preferred_element_type=_f32)
    m = xl + xr + el
    m = jnp.where(m >= 0, m, 0.2 * m)
    s = jnp.dot(m, a1m_ref[...], preferred_element_type=_f32)
    z = jnp.zeros((x.shape[0], 64), _f32)
    xl_ref[...] = jnp.concatenate([xl, z], axis=1)
    g_ref[...] = jnp.concatenate([xr, s, z[:, :56]], axis=1)


def _prep1(x, acc, Wl, bl, Wr, br, We, A1):
    B = 1000
    return pl.pallas_call(
        _prep1_body,
        grid=(_N // B,),
        in_specs=[
            pl.BlockSpec((B, 128), lambda i: (i, 0)),
            pl.BlockSpec((B, 128), lambda i: (i, 0)),
            pl.BlockSpec((128, 64), lambda i: (0, 0)),
            pl.BlockSpec((1, 64), lambda i: (0, 0)),
            pl.BlockSpec((128, 64), lambda i: (0, 0)),
            pl.BlockSpec((1, 64), lambda i: (0, 0)),
            pl.BlockSpec((16, 64), lambda i: (0, 0)),
            pl.BlockSpec((64, 8), lambda i: (0, 0)),
        ],
        out_specs=[
            pl.BlockSpec((B, 128), lambda i: (i, 0)),
            pl.BlockSpec((B, 128), lambda i: (i, 0)),
            pl.BlockSpec((B, 16), lambda i: (i, 0)),
        ],
        out_shape=[
            jax.ShapeDtypeStruct((_N, 128), _f32),
            jax.ShapeDtypeStruct((_N, 128), _f32),
            jax.ShapeDtypeStruct((_N, 16), _f32),
        ],
    )(x, acc, Wl, bl, Wr, br, We, A1)


def _msg1_body(gxl_ref, gxr_ref, e_ref, am_ref, rm_ref, out_ref):
    xls = gxl_ref[...][:, :64]
    gxr = gxr_ref[...]
    m = xls + gxr[:, :64] + e_ref[...]
    m = jnp.where(m >= 0, m, 0.2 * m)
    alpha = jnp.dot(m, am_ref[...], preferred_element_type=_f32)
    ex = jnp.exp(jnp.clip(alpha - gxr[:, 64:72], -80.0, 75.0))
    exrep = jnp.dot(ex, rm_ref[...], preferred_element_type=_f32)
    out_ref[...] = jnp.concatenate(
        [xls * exrep, ex, jnp.zeros((xls.shape[0], 56), _f32)], axis=1)


def _msg1(gxl, gxr, e, A1, R8):
    B = 2048
    return pl.pallas_call(
        _msg1_body,
        grid=(_EP // B,),
        in_specs=[
            pl.BlockSpec((B, 128), lambda i: (i, 0)),
            pl.BlockSpec((B, 128), lambda i: (i, 0)),
            pl.BlockSpec((B, 64), lambda i: (i, 0)),
            pl.BlockSpec((64, 8), lambda i: (0, 0)),
            pl.BlockSpec((8, 64), lambda i: (0, 0)),
        ],
        out_specs=pl.BlockSpec((B, 128), lambda i: (i, 0)),
        out_shape=jax.ShapeDtypeStruct((_EP, 128), _f32),
    )(gxl, gxr, e, A1, R8)


def _fin1prep2_body(a_ref, xl1_ref, b1_ref, rm_ref, la_ref,
                    wl_ref, bl_ref, wr_ref, br_ref, we_ref, att_ref,
                    xl2_ref, g2_ref):
    a0 = a_ref[...]
    num = a0[:, :64] + xl1_ref[...][:, :64]
    den = a0[:, 64:72] + 1.0
    denrep = jnp.dot(den, rm_ref[...], preferred_element_type=_f32)
    o = num / (denrep + 1e-16) + b1_ref[...]
    h = jnp.where(o > 0, o, jnp.exp(jnp.minimum(o, 0.0)) - 1.0)
    xl2 = jnp.dot(h, wl_ref[...], preferred_element_type=_f32) + bl_ref[...]
    xr2 = jnp.dot(h, wr_ref[...], preferred_element_type=_f32) + br_ref[...]
    el2 = jnp.dot(la_ref[...], we_ref[...], preferred_element_type=_f32)
    m = xl2 + xr2 + el2
    m = jnp.where(m >= 0, m, 0.2 * m)
    s2 = jnp.sum(m * att_ref[...], axis=1, keepdims=True)
    z = jnp.zeros((xl2.shape[0], 64), _f32)
    xl2_ref[...] = jnp.concatenate([xl2, z], axis=1)
    g2_ref[...] = jnp.concatenate([xr2, s2, z[:, :63]], axis=1)


def _fin1prep2(acc, XL1, bias1, R8, la, Wl2, bl2, Wr2, br2, We2, att2):
    B = 1000
    return pl.pallas_call(
        _fin1prep2_body,
        grid=(_N // B,),
        in_specs=[
            pl.BlockSpec((B, 128), lambda i: (i, 0)),
            pl.BlockSpec((B, 128), lambda i: (i, 0)),
            pl.BlockSpec((1, 64), lambda i: (0, 0)),
            pl.BlockSpec((8, 64), lambda i: (0, 0)),
            pl.BlockSpec((B, 16), lambda i: (i, 0)),
            pl.BlockSpec((64, 64), lambda i: (0, 0)),
            pl.BlockSpec((1, 64), lambda i: (0, 0)),
            pl.BlockSpec((64, 64), lambda i: (0, 0)),
            pl.BlockSpec((1, 64), lambda i: (0, 0)),
            pl.BlockSpec((16, 64), lambda i: (0, 0)),
            pl.BlockSpec((1, 64), lambda i: (0, 0)),
        ],
        out_specs=[
            pl.BlockSpec((B, 128), lambda i: (i, 0)),
            pl.BlockSpec((B, 128), lambda i: (i, 0)),
        ],
        out_shape=[
            jax.ShapeDtypeStruct((_N, 128), _f32),
            jax.ShapeDtypeStruct((_N, 128), _f32),
        ],
    )(acc, XL1, bias1, R8, la, Wl2, bl2, Wr2, br2, We2, att2)


def _msg2_body(gxl_ref, gxr_ref, e_ref, att_ref, out_ref):
    xls = gxl_ref[...][:, :64]
    gxr = gxr_ref[...]
    m = xls + gxr[:, :64] + e_ref[...]
    m = jnp.where(m >= 0, m, 0.2 * m)
    alpha = jnp.sum(m * att_ref[...], axis=1, keepdims=True)
    ex = jnp.exp(jnp.clip(alpha - gxr[:, 64:65], -80.0, 75.0))
    out_ref[...] = jnp.concatenate(
        [xls * ex, ex, jnp.zeros((xls.shape[0], 63), _f32)], axis=1)


def _msg2(gxl, gxr, e, att2):
    B = 2048
    return pl.pallas_call(
        _msg2_body,
        grid=(_EP // B,),
        in_specs=[
            pl.BlockSpec((B, 128), lambda i: (i, 0)),
            pl.BlockSpec((B, 128), lambda i: (i, 0)),
            pl.BlockSpec((B, 64), lambda i: (i, 0)),
            pl.BlockSpec((1, 64), lambda i: (0, 0)),
        ],
        out_specs=pl.BlockSpec((B, 128), lambda i: (i, 0)),
        out_shape=jax.ShapeDtypeStruct((_EP, 128), _f32),
    )(gxl, gxr, e, att2)


def _fin2_body(a_ref, xl2_ref, b2_ref, out_ref):
    a0 = a_ref[...]
    num = a0[:, :64] + xl2_ref[...][:, :64]
    den = a0[:, 64:65] + 1.0
    out_ref[...] = num / (den + 1e-16) + b2_ref[...]


def _fin2(acc, XL2, bias2):
    B = 1000
    return pl.pallas_call(
        _fin2_body,
        grid=(_N // B,),
        in_specs=[
            pl.BlockSpec((B, 128), lambda i: (i, 0)),
            pl.BlockSpec((B, 128), lambda i: (i, 0)),
            pl.BlockSpec((1, 64), lambda i: (0, 0)),
        ],
        out_specs=pl.BlockSpec((B, 64), lambda i: (i, 0)),
        out_shape=jax.ShapeDtypeStruct((_N, 64), _f32),
    )(acc, XL2, bias2)



_CHUNK = 128
_PER_TILE = _EP // 32
_NCHUNK = _PER_TILE // _CHUNK
_ROWS_PT = _NT // 16


def _sc_mesh():
    return plsc.VectorSubcoreMesh(core_axis_name="c", subcore_axis_name="s")


def _zero_vmem(buf, rows, cols):
    def zr(r, _):
        def zc(c, _):
            buf[r, pl.ds(c * 16, 16)] = jnp.zeros((16,), _f32)
            return 0
        return lax.fori_loop(0, cols // 16, zc, 0, unroll=True)
    lax.fori_loop(0, rows, zr, 0)


_HALF = 5120
_HR = 5248
_ROWS_PT = _HR // 16
_TCHUNKS = _EP // 16 // _CHUNK


def _sc_mesh():
    return plsc.VectorSubcoreMesh(core_axis_name="c", subcore_axis_name="s")


def _zero_vmem(buf, rows, cols):
    def zr(r, _):
        def zc(c, _):
            buf[r, pl.ds(c * 16, 16)] = jnp.zeros((16,), _f32)
            return 0
        return lax.fori_loop(0, cols // 16, zc, 0, unroll=True)
    lax.fori_loop(0, rows, zr, 0)


@functools.partial(jax.jit, static_argnums=(2,))
def _seg_add(rows, dstc, D):

    @functools.partial(
        pl.kernel,
        out_type=jax.ShapeDtypeStruct((2 * _HR, D), _f32),
        mesh=_sc_mesh(),
        scratch_types=[
            pltpu.VMEM((_CHUNK,), jnp.int32),
            pltpu.VMEM((_CHUNK,), jnp.int32),
            pltpu.VMEM((_CHUNK, D), _f32),
            pltpu.VMEM((_CHUNK, D), _f32),
            pltpu.VMEM((_ROWS_PT, D), _f32),
            pltpu.VMEM_SHARED((_HR, D), _f32),
            pltpu.SemaphoreType.DMA,
            pltpu.SemaphoreType.DMA,
        ],
    )
    def k(msg_hbm, dst_hbm, out_hbm, ia_v, ib_v, ra_v, rb_v, buf_v, acc_sh,
          sa, sb):
        core = lax.axis_index("c")
        tile = lax.axis_index("s")
        _zero_vmem(buf_v, _ROWS_PT, D)
        pltpu.sync_copy(buf_v, acc_sh.at[pl.ds(tile * _ROWS_PT, _ROWS_PT)])
        plsc.subcore_barrier()
        start = tile * (_TCHUNKS * _CHUNK)

        def body(g, _):
            b0 = start + (2 * g) * _CHUNK
            b1 = b0 + _CHUNK
            d0 = pltpu.async_copy(msg_hbm.at[pl.ds(b0, _CHUNK)], ra_v, sa)
            d1 = pltpu.async_copy(msg_hbm.at[pl.ds(b1, _CHUNK)], rb_v, sb)
            pltpu.sync_copy(dst_hbm.at[core].at[pl.ds(b0, _CHUNK)], ia_v)
            pltpu.sync_copy(dst_hbm.at[core].at[pl.ds(b1, _CHUNK)], ib_v)
            d0.wait()
            pltpu.sync_copy(ra_v, acc_sh.at[ia_v], add=True)
            d1.wait()
            pltpu.sync_copy(rb_v, acc_sh.at[ib_v], add=True)
            return 0

        lax.fori_loop(0, _TCHUNKS // 2, body, 0)
        plsc.subcore_barrier()
        row0 = tile * _ROWS_PT
        pltpu.sync_copy(acc_sh.at[pl.ds(row0, _ROWS_PT)], buf_v)
        pltpu.sync_copy(buf_v, out_hbm.at[pl.ds(core * _HR + row0, _ROWS_PT)])

    acc = k(rows, dstc)
    return jnp.concatenate([acc[:_HALF], acc[_HR:_HR + _N - _HALF]], axis=0)


@jax.jit
def _sc_gather(XL, G, srcp, dstp):

    @functools.partial(
        pl.kernel,
        out_type=[
            jax.ShapeDtypeStruct((_EP, 128), _f32),
            jax.ShapeDtypeStruct((_EP, 128), _f32),
        ],
        mesh=_sc_mesh(),
        scratch_types=[
            pltpu.VMEM((2 * _CHUNK,), jnp.int32),
            pltpu.VMEM((2 * _CHUNK,), jnp.int32),
            pltpu.VMEM((_CHUNK, 128), _f32),
            pltpu.VMEM((_CHUNK, 128), _f32),
            pltpu.VMEM((_CHUNK, 128), _f32),
            pltpu.VMEM((_CHUNK, 128), _f32),
            pltpu.SemaphoreType.DMA,
            pltpu.SemaphoreType.DMA,
            pltpu.SemaphoreType.DMA,
            pltpu.SemaphoreType.DMA,
        ],
    )
    def k(xl_hbm, g_hbm, src_hbm, dst_hbm, gxl_hbm, gxr_hbm,
          sidx_v, didx_v, bxla_v, bxra_v, bxlb_v, bxrb_v,
          sem1, sem2, sem3, sem4):
        core = lax.axis_index("c")
        tile = lax.axis_index("s")
        start = (core * 16 + tile) * _PER_TILE

        def body(g, _):
            b0 = start + (2 * g) * _CHUNK
            b1 = b0 + _CHUNK
            pltpu.sync_copy(src_hbm.at[pl.ds(b0, 2 * _CHUNK)], sidx_v)
            pltpu.sync_copy(dst_hbm.at[pl.ds(b0, 2 * _CHUNK)], didx_v)
            d0 = pltpu.async_copy(
                xl_hbm.at[sidx_v.at[pl.ds(0, _CHUNK)]], bxla_v, sem1)
            d1 = pltpu.async_copy(
                g_hbm.at[didx_v.at[pl.ds(0, _CHUNK)]], bxra_v, sem2)
            d2 = pltpu.async_copy(
                xl_hbm.at[sidx_v.at[pl.ds(_CHUNK, _CHUNK)]], bxlb_v, sem3)
            d3 = pltpu.async_copy(
                g_hbm.at[didx_v.at[pl.ds(_CHUNK, _CHUNK)]], bxrb_v, sem4)
            d0.wait()
            pltpu.sync_copy(bxla_v, gxl_hbm.at[pl.ds(b0, _CHUNK)])
            d1.wait()
            pltpu.sync_copy(bxra_v, gxr_hbm.at[pl.ds(b0, _CHUNK)])
            d2.wait()
            pltpu.sync_copy(bxlb_v, gxl_hbm.at[pl.ds(b1, _CHUNK)])
            d3.wait()
            pltpu.sync_copy(bxrb_v, gxr_hbm.at[pl.ds(b1, _CHUNK)])
            return 0

        lax.fori_loop(0, _PER_TILE // (2 * _CHUNK), body, 0)

    return k(XL, G, srcp, dstp)



def kernel(x, edge_index, edge_attr, W_l1, b_l1, W_r1, b_r1, W_e1, att1,
           bias1, W_l2, b_l2, W_r2, b_r2, W_e2, att2, bias2):
    pad = _EP - _E
    srcp = jnp.concatenate([edge_index[0], jnp.zeros((pad,), jnp.int32)])
    dstp = jnp.concatenate([edge_index[1],
                            jnp.full((pad,), _N, jnp.int32)])
    dstg = jnp.concatenate([edge_index[1], jnp.zeros((pad,), jnp.int32)])
    eap = jnp.concatenate([edge_attr, jnp.zeros((pad, 16), _f32)], axis=0)
    in0 = dstp < _HALF
    in1 = (dstp >= _HALF) & (dstp < 2 * _HALF)
    dstc = jnp.stack([jnp.where(in0, dstp, _HALF),
                      jnp.where(in1, dstp - _HALF, _HALF)])

    A1 = (att1[:, :, None] * jnp.eye(8, dtype=_f32)[:, None, :]).reshape(64, 8)
    R8 = jnp.repeat(jnp.eye(8, dtype=_f32), 8, axis=1)
    att2r = att2.reshape(1, 64)

    b_l1r = b_l1.reshape(1, 64)
    b_r1r = b_r1.reshape(1, 64)
    bias1r = bias1.reshape(1, 64)
    b_l2r = b_l2.reshape(1, 64)
    b_r2r = b_r2.reshape(1, 64)
    bias2r = bias2.reshape(1, 64)

    msg0 = jnp.concatenate(
        [eap, jnp.ones((_EP, 1), _f32), jnp.zeros((_EP, 111), _f32)], axis=1)
    acc0 = _seg_add(msg0, dstc, 128)

    e1, e2 = _edge_mm(eap, W_e1, W_e2)

    XL1, G1, la = _prep1(x, acc0, W_l1, b_l1r, W_r1, b_r1r, W_e1, A1)
    gxl1, gxr1 = _sc_gather(XL1, G1, srcp, dstg)
    m1 = _msg1(gxl1, gxr1, e1, A1, R8)
    acc1 = _seg_add(m1, dstc, 128)

    XL2, G2 = _fin1prep2(acc1, XL1, bias1r, R8, la,
                         W_l2, b_l2r, W_r2, b_r2r, W_e2, att2r)
    gxl2, gxr2 = _sc_gather(XL2, G2, srcp, dstg)
    m2 = _msg2(gxl2, gxr2, e2, att2r)
    acc2 = _seg_add(m2, dstc, 128)

    return _fin2(acc2, XL2, bias2r)

# --- scband reference (transcript-rebuilt; emitter-appended) ---
"""Pipeline reference for scband-gat-77773267796039 (READ-ONLY COPY).

The authoritative reference and input builder live on the scoring server;
editing this copy changes nothing except your own understanding.
"""

import jax, jax.numpy as jnp
import numpy as np

N = 10000
E = 320000
D_FEAT = 128
D_EDGE = 16
EMB = 64
H1 = 8
C1 = 8


def _glorot(key, shape):
    lim = float(np.sqrt(6.0 / (shape[0] + shape[1])))
    return jax.random.uniform(key, shape, jnp.float32, -lim, lim)


def setup_inputs(seed: int = 0) -> dict:
    key = jax.random.key(seed)
    ks = jax.random.split(key, 20)
    inp = {}
    inp["x"] = jax.random.normal(ks[0], (N, D_FEAT), jnp.float32)
    inp["edge_index"] = jax.random.randint(ks[1], (2, E), 0, N, jnp.int32)
    inp["edge_attr"] = jax.random.normal(ks[2], (E, D_EDGE), jnp.float32)
    # layer 1: GATv2Conv(128 -> 8, heads=8, edge_dim=16, concat=True)
    inp["W_l1"] = _glorot(ks[3], (D_FEAT, H1 * C1))
    inp["b_l1"] = jnp.zeros((H1 * C1,), jnp.float32)
    inp["W_r1"] = _glorot(ks[4], (D_FEAT, H1 * C1))
    inp["b_r1"] = jnp.zeros((H1 * C1,), jnp.float32)
    inp["W_e1"] = _glorot(ks[5], (D_EDGE, H1 * C1))
    inp["att1"] = _glorot(ks[6], (H1, C1))
    inp["bias1"] = jnp.zeros((H1 * C1,), jnp.float32)
    # layer 2: GATv2Conv(64 -> 64, heads=1, edge_dim=16, concat=False)
    inp["W_l2"] = _glorot(ks[7], (H1 * C1, EMB))
    inp["b_l2"] = jnp.zeros((EMB,), jnp.float32)
    inp["W_r2"] = _glorot(ks[8], (H1 * C1, EMB))
    inp["b_r2"] = jnp.zeros((EMB,), jnp.float32)
    inp["W_e2"] = _glorot(ks[9], (D_EDGE, EMB))
    inp["att2"] = _glorot(ks[10], (1, EMB))
    inp["bias2"] = jnp.zeros((EMB,), jnp.float32)
    return inp


def _gatv2(x, edge_index, edge_attr, Wl, bl, Wr, br, We, att, bias, H, C, concat):
    Nn = x.shape[0]
    src, dst = edge_index[0], edge_index[1]
    # add self loops; edge_attr fill_value='mean' (mean of incoming edge attrs per dst node)
    loop = jnp.arange(Nn, dtype=src.dtype)
    attr_sum = jax.ops.segment_sum(edge_attr, dst, num_segments=Nn)
    cnt = jax.ops.segment_sum(jnp.ones((edge_attr.shape[0],), jnp.float32), dst, num_segments=Nn)
    loop_attr = attr_sum / jnp.maximum(cnt, 1.0)[:, None]
    src = jnp.concatenate([src, loop])
    dst = jnp.concatenate([dst, loop])
    ea = jnp.concatenate([edge_attr, loop_attr], axis=0)
    x_l = (x @ Wl + bl).reshape(Nn, H, C)
    x_r = (x @ Wr + br).reshape(Nn, H, C)
    e = (ea @ We).reshape(-1, H, C)
    m = x_l[src] + x_r[dst] + e
    m = jax.nn.leaky_relu(m, 0.2)
    alpha = (m * att[None, :, :]).sum(-1)  # [E+N, H]
    amax = jax.ops.segment_max(alpha, dst, num_segments=Nn)
    amax = jnp.where(jnp.isfinite(amax), amax, 0.0)
    ex = jnp.exp(alpha - amax[dst])
    denom = jax.ops.segment_sum(ex, dst, num_segments=Nn)
    a = ex / (denom[dst] + 1e-16)
    msg = x_l[src] * a[..., None]
    out = jax.ops.segment_sum(msg, dst, num_segments=Nn)  # [N, H, C]
    if concat:
        out = out.reshape(Nn, H * C)
    else:
        out = out.mean(axis=1)
    return out + bias


def reference(x, edge_index, edge_attr, W_l1, b_l1, W_r1, b_r1, W_e1, att1, bias1,
              W_l2, b_l2, W_r2, b_r2, W_e2, att2, bias2):
    # dropout p=0.6 is identity in eval mode
    h = jax.nn.elu(_gatv2(x, edge_index, edge_attr, W_l1, b_l1, W_r1, b_r1, W_e1, att1, bias1, H1, C1, True))
    out = _gatv2(h, edge_index, edge_attr, W_l2, b_l2, W_r2, b_r2, W_e2, att2, bias2, 1, EMB, False)
    return out

if __name__ == "__main__":
    import jax
    _d = setup_inputs()
    print(jax.jit(kernel)(*tuple(_d.values())))

</pallas_src>

<mosaic_0001>
#map = affine_map<(d0, d1) -> (0, 0)>
module attributes {stable_mosaic.version = 14 : i64} {
  func.func @k(%arg0: i32, %arg1: i32, %arg2: memref<327680x128xf32, #tpu.memory_space<hbm>>, %arg3: memref<2x327680xi32, #tpu.memory_space<hbm>>, %arg4: memref<10496x128xf32, #tpu.memory_space<hbm>>, %arg5: memref<128xi32, #tpu.memory_space<vmem>>, %arg6: memref<128xi32, #tpu.memory_space<vmem>>, %arg7: memref<128x128xf32, #tpu.memory_space<vmem>>, %arg8: memref<128x128xf32, #tpu.memory_space<vmem>>, %arg9: memref<328x128xf32, #tpu.memory_space<vmem>>, %arg10: memref<5248x128xf32, #tpu.memory_space<vmem_shared>>, %arg11: memref<!tpu.dma_semaphore, #tpu.memory_space<semaphore_mem>>, %arg12: memref<!tpu.dma_semaphore, #tpu.memory_space<semaphore_mem>>) attributes {dimension_semantics = [#tpu.dimension_semantics<core_parallel>, #tpu.dimension_semantics<subcore_parallel>], iteration_bounds = array<i64: 2, 16>, scalar_prefetch = 0 : i64, scratch_operands = 8 : i64, tpu.core_type = #tpu.core_type<sc_vector_subcore>, window_params = [{transform_indices = #map}, {transform_indices = #map}, {transform_indices = #map}]} {
    %scan3A = arith.constant 0 : i32
    %scan3A_0 = arith.constant 0 : i32
    %scan3A_1 = arith.constant 328 : i32
    %scan3A_2 = arith.addi %scan3A_0, %scan3A_1 : i32
    %scan3A_3 = arith.constant 1 : i32
    %scan3A_4 = scf.for %scan3A_21 = %scan3A_0 to %scan3A_2 step %scan3A_3 iter_args(%scan3A_22 = %scan3A) -> (i32)  : i32 {
      %scan3A_23 = arith.constant 0 : i32
      %scan3A_24 = arith.constant 0 : i32
      %broadcast_in_dim3A = arith.constant 0.000000e+00 : f32
      %broadcast_in_dim3A_25 = vector.broadcast %broadcast_in_dim3A : f32 to vector<16xf32>
      %mul3A_26 = arith.constant 16 : i32
      %mul3A_27 = arith.muli %scan3A_24, %mul3A_26 : i32
      %swap3A = arith.index_cast %scan3A_21 : i32 to index
      %swap3A_28 = arith.index_cast %mul3A_27 : i32 to index
      %swap3A_29 = tpu.vector_load %arg9[%swap3A, %swap3A_28] {strides = array<i32>} : memref<328x128xf32, #tpu.memory_space<vmem>>, vector<1x16xf32>,
      %swap3A_30 = vector.shape_cast %swap3A_29 : vector<1x16xf32> to vector<16xf32>
      %swap3A_31 = vector.shape_cast %broadcast_in_dim3A_25 : vector<16xf32> to vector<1x16xf32>
      tpu.vector_store %arg9[%swap3A, %swap3A_28], %swap3A_31 {strides = array<i32>} : memref<328x128xf32, #tpu.memory_space<vmem>>, vector<1x16xf32>,
      %scan3A_32 = arith.constant 0 : i32
      %scan3A_33 = arith.constant 1 : i32
      %broadcast_in_dim3A_34 = arith.constant 0.000000e+00 : f32
      %broadcast_in_dim3A_35 = vector.broadcast %broadcast_in_dim3A_34 : f32 to vector<16xf32>
      %mul3A_36 = arith.constant 16 : i32
      %mul3A_37 = arith.muli %scan3A_33, %mul3A_36 : i32
      %swap3A_38 = arith.index_cast %scan3A_21 : i32 to index
      %swap3A_39 = arith.index_cast %mul3A_37 : i32 to index
      %swap3A_40 = tpu.vector_load %arg9[%swap3A_38, %swap3A_39] {strides = array<i32>} : memref<328x128xf32, #tpu.memory_space<vmem>>, vector<1x16xf32>,
      %swap3A_41 = vector.shape_cast %swap3A_40 : vector<1x16xf32> to vector<16xf32>
      %swap3A_42 = vector.shape_cast %broadcast_in_dim3A_35 : vector<16xf32> to vector<1x16xf32>
      tpu.vector_store %arg9[%swap3A_38, %swap3A_39], %swap3A_42 {strides = array<i32>} : memref<328x128xf32, #tpu.memory_space<vmem>>, vector<1x16xf32>,
      %scan3A_43 = arith.constant 0 : i32
      %scan3A_44 = arith.constant 2 : i32
      %broadcast_in_dim3A_45 = arith.constant 0.000000e+00 : f32
      %broadcast_in_dim3A_46 = vector.broadcast %broadcast_in_dim3A_45 : f32 to vector<16xf32>
      %mul3A_47 = arith.constant 16 : i32
      %mul3A_48 = arith.muli %scan3A_44, %mul3A_47 : i32
      %swap3A_49 = arith.index_cast %scan3A_21 : i32 to index
      %swap3A_50 = arith.index_cast %mul3A_48 : i32 to index
      %swap3A_51 = tpu.vector_load %arg9[%swap3A_49, %swap3A_50] {strides = array<i32>} : memref<328x128xf32, #tpu.memory_space<vmem>>, vector<1x16xf32>,
      %swap3A_52 = vector.shape_cast %swap3A_51 : vector<1x16xf32> to vector<16xf32>
      %swap3A_53 = vector.shape_cast %broadcast_in_dim3A_46 : vector<16xf32> to vector<1x16xf32>
      tpu.vector_store %arg9[%swap3A_49, %swap3A_50], %swap3A_53 {strides = array<i32>} : memref<328x128xf32, #tpu.memory_space<vmem>>, vector<1x16xf32>,
      %scan3A_54 = arith.constant 0 : i32
      %scan3A_55 = arith.constant 3 : i32
      %broadcast_in_dim3A_56 = arith.constant 0.000000e+00 : f32
      %broadcast_in_dim3A_57 = vector.broadcast %broadcast_in_dim3A_56 : f32 to vector<16xf32>
      %mul3A_58 = arith.constant 16 : i32
      %mul3A_59 = arith.muli %scan3A_55, %mul3A_58 : i32
      %swap3A_60 = arith.index_cast %scan3A_21 : i32 to index
      %swap3A_61 = arith.index_cast %mul3A_59 : i32 to index
      %swap3A_62 = tpu.vector_load %arg9[%swap3A_60, %swap3A_61] {strides = array<i32>} : memref<328x128xf32, #tpu.memory_space<vmem>>, vector<1x16xf32>,
      %swap3A_63 = vector.shape_cast %swap3A_62 : vector<1x16xf32> to vector<16xf32>
      %swap3A_64 = vector.shape_cast %broadcast_in_dim3A_57 : vector<16xf32> to vector<1x16xf32>
      tpu.vector_store %arg9[%swap3A_60, %swap3A_61], %swap3A_64 {strides = array<i32>} : memref<328x128xf32, #tpu.memory_space<vmem>>, vector<1x16xf32>,
      %scan3A_65 = arith.constant 0 : i32
      %scan3A_66 = arith.constant 4 : i32
      %broadcast_in_dim3A_67 = arith.constant 0.000000e+00 : f32
      %broadcast_in_dim3A_68 = vector.broadcast %broadcast_in_dim3A_67 : f32 to vector<16xf32>
      %mul3A_69 = arith.constant 16 : i32
      %mul3A_70 = arith.muli %scan3A_66, %mul3A_69 : i32
      %swap3A_71 = arith.index_cast %scan3A_21 : i32 to index
      %swap3A_72 = arith.index_cast %mul3A_70 : i32 to index
      %swap3A_73 = tpu.vector_load %arg9[%swap3A_71, %swap3A_72] {strides = array<i32>} : memref<328x128xf32, #tpu.memory_space<vmem>>, vector<1x16xf32>,
      %swap3A_74 = vector.shape_cast %swap3A_73 : vector<1x16xf32> to vector<16xf32>
      %swap3A_75 = vector.shape_cast %broadcast_in_dim3A_68 : vector<16xf32> to vector<1x16xf32>
      tpu.vector_store %arg9[%swap3A_71, %swap3A_72], %swap3A_75 {strides = array<i32>} : memref<328x128xf32, #tpu.memory_space<vmem>>, vector<1x16xf32>,
      %scan3A_76 = arith.constant 0 : i32
      %scan3A_77 = arith.constant 5 : i32
      %broadcast_in_dim3A_78 = arith.constant 0.000000e+00 : f32
      %broadcast_in_dim3A_79 = vector.broadcast %broadcast_in_dim3A_78 : f32 to vector<16xf32>
      %mul3A_80 = arith.constant 16 : i32
      %mul3A_81 = arith.muli %scan3A_77, %mul3A_80 : i32
      %swap3A_82 = arith.index_cast %scan3A_21 : i32 to index
      %swap3A_83 = arith.index_cast %mul3A_81 : i32 to index
      %swap3A_84 = tpu.vector_load %arg9[%swap3A_82, %swap3A_83] {strides = array<i32>} : memref<328x128xf32, #tpu.memory_space<vmem>>, vector<1x16xf32>,
      %swap3A_85 = vector.shape_cast %swap3A_84 : vector<1x16xf32> to vector<16xf32>
      %swap3A_86 = vector.shape_cast %broadcast_in_dim3A_79 : vector<16xf32> to vector<1x16xf32>
      tpu.vector_store %arg9[%swap3A_82, %swap3A_83], %swap3A_86 {strides = array<i32>} : memref<328x128xf32, #tpu.memory_space<vmem>>, vector<1x16xf32>,
      %scan3A_87 = arith.constant 0 : i32
      %scan3A_88 = arith.constant 6 : i32
      %broadcast_in_dim3A_89 = arith.constant 0.000000e+00 : f32
      %broadcast_in_dim3A_90 = vector.broadcast %broadcast_in_dim3A_89 : f32 to vector<16xf32>
      %mul3A_91 = arith.constant 16 : i32
      %mul3A_92 = arith.muli %scan3A_88, %mul3A_91 : i32
      %swap3A_93 = arith.index_cast %scan3A_21 : i32 to index
      %swap3A_94 = arith.index_cast %mul3A_92 : i32 to index
      %swap3A_95 = tpu.vector_load %arg9[%swap3A_93, %swap3A_94] {strides = array<i32>} : memref<328x128xf32, #tpu.memory_space<vmem>>, vector<1x16xf32>,
      %swap3A_96 = vector.shape_cast %swap3A_95 : vector<1x16xf32> to vector<16xf32>
      %swap3A_97 = vector.shape_cast %broadcast_in_dim3A_90 : vector<16xf32> to vector<1x16xf32>
      tpu.vector_store %arg9[%swap3A_93, %swap3A_94], %swap3A_97 {strides = array<i32>} : memref<328x128xf32, #tpu.memory_space<vmem>>, vector<1x16xf32>,
      %scan3A_98 = arith.constant 0 : i32
      %scan3A_99 = arith.constant 7 : i32
      %broadcast_in_dim3A_100 = arith.constant 0.000000e+00 : f32
      %broadcast_in_dim3A_101 = vector.broadcast %broadcast_in_dim3A_100 : f32 to vector<16xf32>
      %mul3A_102 = arith.constant 16 : i32
      %mul3A_103 = arith.muli %scan3A_99, %mul3A_102 : i32
      %swap3A_104 = arith.index_cast %scan3A_21 : i32 to index
      %swap3A_105 = arith.index_cast %mul3A_103 : i32 to index
      %swap3A_106 = tpu.vector_load %arg9[%swap3A_104, %swap3A_105] {strides = array<i32>} : memref<328x128xf32, #tpu.memory_space<vmem>>, vector<1x16xf32>,
      %swap3A_107 = vector.shape_cast %swap3A_106 : vector<1x16xf32> to vector<16xf32>
      %swap3A_108 = vector.shape_cast %broadcast_in_dim3A_101 : vector<16xf32> to vector<1x16xf32>
      tpu.vector_store %arg9[%swap3A_104, %swap3A_105], %swap3A_108 {strides = array<i32>} : memref<328x128xf32, #tpu.memory_space<vmem>>, vector<1x16xf32>,
      %scan3A_109 = arith.constant 0 : i32
      %scan3A_110 = arith.constant 8 : i32
      scf.yield %scan3A_109 : i32
    }
    %scan3A_5 = arith.constant 328 : i32
    %mul3A = arith.constant 328 : i32
    %mul3A_6 = arith.muli %arg1, %mul3A : i32
    "tpu.region"() ({
      %run_scoped3A = tpu.sem_alloc : memref<!tpu.dma_semaphore, #tpu.memory_space<semaphore_mem>>
      %dma_start3A = arith.constant 0 : i32
      %dma_start3A_21 = tpu.memref_slice %arg10[%mul3A_6, %dma_start3A] : memref<5248x128xf32, #tpu.memory_space<vmem_shared>> -> memref<328x128xf32, #tpu.memory_space<vmem_shared>>
      %dma_start3A_22 = arith.constant 0 : i32
      %dma_start3A_23 = tpu.memref_slice %arg10[%mul3A_6, %dma_start3A_22] : memref<5248x128xf32, #tpu.memory_space<vmem_shared>> -> memref<328x128xf32, #tpu.memory_space<vmem_shared>>
      tpu.enqueue_dma source(%arg9 : memref<328x128xf32, #tpu.memory_space<vmem>>) target(%dma_start3A_23 : memref<328x128xf32, #tpu.memory_space<vmem_shared>>) target_semaphore(%run_scoped3A : memref<!tpu.dma_semaphore, #tpu.memory_space<semaphore_mem>>)
      %dma_wait3A = arith.constant 0 : i32
      %dma_wait3A_24 = tpu.memref_slice %arg10[%mul3A_6, %dma_wait3A] : memref<5248x128xf32, #tpu.memory_space<vmem_shared>> -> memref<328x128xf32, #tpu.memory_space<vmem_shared>>
      %dma_wait3A_25 = arith.constant 0 : i32
      %dma_wait3A_26 = tpu.memref_slice %arg10[%mul3A_6, %dma_wait3A_25] : memref<5248x128xf32, #tpu.memory_space<vmem_shared>> -> memref<328x128xf32, #tpu.memory_space<vmem_shared>>
      tpu.wait_dma2 semaphore(%run_scoped3A : memref<!tpu.dma_semaphore, #tpu.memory_space<semaphore_mem>>) src(%arg9 : memref<328x128xf32, #tpu.memory_space<vmem>>) dst(%dma_wait3A_26 : memref<328x128xf32, #tpu.memory_space<vmem_shared>>)
      tpu.yield
    }) : () -> ()
    %barrier3A = arith.constant 0 : index
    tpu.barrier barrier_id(%barrier3A)
    %mul3A_7 = arith.constant 20480 : i32
    %mul3A_8 = arith.muli %arg1, %mul3A_7 : i32
    %scan3A_9 = arith.constant 0 : i32
    %scan3A_10 = arith.constant 0 : i32
    %scan3A_11 = arith.constant 80 : i32
    %scan3A_12 = arith.addi %scan3A_10, %scan3A_11 : i32
    %scan3A_13 = arith.constant 1 : i32
    %scan3A_14 = scf.for %scan3A_21 = %scan3A_10 to %scan3A_12 step %scan3A_13 iter_args(%scan3A_22 = %scan3A_9) -> (i32)  : i32 {
      %mul3A_23 = arith.constant 2 : i32
      %mul3A_24 = arith.muli %mul3A_23, %scan3A_21 : i32
      %mul3A_25 = arith.constant 128 : i32
      %mul3A_26 = arith.muli %mul3A_24, %mul3A_25 : i32
      %add3A_27 = arith.addi %mul3A_8, %mul3A_26 : i32
      %add3A_28 = arith.constant 128 : i32
      %add3A_29 = arith.addi %add3A_27, %add3A_28 : i32
      %dma_start3A = arith.constant 0 : i32
      %dma_start3A_30 = tpu.memref_slice %arg2[%add3A_27, %dma_start3A] : memref<327680x128xf32, #tpu.memory_space<hbm>> -> memref<128x128xf32, #tpu.memory_space<hbm>>
      %dma_start3A_31 = arith.constant 0 : i32
      %dma_start3A_32 = tpu.memref_slice %arg2[%add3A_27, %dma_start3A_31] : memref<327680x128xf32, #tpu.memory_space<hbm>> -> memref<128x128xf32, #tpu.memory_space<hbm>>
      tpu.enqueue_dma source(%dma_start3A_32 : memref<128x128xf32, #tpu.memory_space<hbm>>) target(%arg7 : memref<128x128xf32, #tpu.memory_space<vmem>>) target_semaphore(%arg11 : memref<!tpu.dma_semaphore, #tpu.memory_space<semaphore_mem>>)
      %dma_start3A_33 = arith.constant 0 : i32
      %dma_start3A_34 = tpu.memref_slice %arg2[%add3A_29, %dma_start3A_33] : memref<327680x128xf32, #tpu.memory_space<hbm>> -> memref<128x128xf32, #tpu.memory_space<hbm>>
      %dma_start3A_35 = arith.constant 0 : i32
      %dma_start3A_36 = tpu.memref_slice %arg2[%add3A_29, %dma_start3A_35] : memref<327680x128xf32, #tpu.memory_space<hbm>> -> memref<128x128xf32, #tpu.memory_space<hbm>>
      tpu.enqueue_dma source(%dma_start3A_36 : memref<128x128xf32, #tpu.memory_space<hbm>>) target(%arg8 : memref<128x128xf32, #tpu.memory_space<vmem>>) target_semaphore(%arg12 : memref<!tpu.dma_semaphore, #tpu.memory_space<semaphore_mem>>)
      "tpu.region"() ({
        %run_scoped3A = tpu.sem_alloc : memref<!tpu.dma_semaphore, #tpu.memory_space<semaphore_mem>>
        %dma_start3A_45 = arith.constant 0 : i32
        %dma_start3A_46 = tpu.memref_slice %arg3[%arg0, %dma_start3A_45] : memref<2x327680xi32, #tpu.memory_space<hbm>> -> memref<1x327680xi32, #tpu.memory_space<hbm>>
        %dma_start3A_47 = tpu.memref_squeeze %dma_start3A_46 : memref<1x327680xi32, #tpu.memory_space<hbm>> -> memref<327680xi32, #tpu.memory_space<hbm>>
        %dma_start3A_48 = tpu.memref_slice %dma_start3A_47[%add3A_27] : memref<327680xi32, #tpu.memory_space<hbm>> -> memref<128xi32, #tpu.memory_space<hbm>>
        %dma_start3A_49 = arith.constant 0 : i32
        %dma_start3A_50 = tpu.memref_slice %arg3[%arg0, %dma_start3A_49] : memref<2x327680xi32, #tpu.memory_space<hbm>> -> memref<1x327680xi32, #tpu.memory_space<hbm>>
        %dma_start3A_51 = tpu.memref_squeeze %dma_start3A_50 : memref<1x327680xi32, #tpu.memory_space<hbm>> -> memref<327680xi32, #tpu.memory_space<hbm>>
        %dma_start3A_52 = tpu.memref_slice %dma_start3A_51[%add3A_27] : memref<327680xi32, #tpu.memory_space<hbm>> -> memref<128xi32, #tpu.memory_space<hbm>>
        tpu.enqueue_dma source(%dma_start3A_52 : memref<128xi32, #tpu.memory_space<hbm>>) target(%arg5 : memref<128xi32, #tpu.memory_space<vmem>>) target_semaphore(%run_scoped3A : memref<!tpu.dma_semaphore, #tpu.memory_space<semaphore_mem>>)
        %dma_wait3A_53 = arith.constant 0 : i32
        %dma_wait3A_54 = tpu.memref_slice %arg3[%arg0, %dma_wait3A_53] : memref<2x327680xi32, #tpu.memory_space<hbm>> -> memref<1x327680xi32, #tpu.memory_space<hbm>>
        %dma_wait3A_55 = tpu.memref_squeeze %dma_wait3A_54 : memref<1x327680xi32, #tpu.memory_space<hbm>> -> memref<327680xi32, #tpu.memory_space<hbm>>
        %dma_wait3A_56 = tpu.memref_slice %dma_wait3A_55[%add3A_27] : memref<327680xi32, #tpu.memory_space<hbm>> -> memref<128xi32, #tpu.memory_space<hbm>>
        %dma_wait3A_57 = arith.constant 0 : i32
        %dma_wait3A_58 = tpu.memref_slice %arg3[%arg0, %dma_wait3A_57] : memref<2x327680xi32, #tpu.memory_space<hbm>> -> memref<1x327680xi32, #tpu.memory_space<hbm>>
        %dma_wait3A_59 = tpu.memref_squeeze %dma_wait3A_58 : memref<1x327680xi32, #tpu.memory_space<hbm>> -> memref<327680xi32, #tpu.memory_space<hbm>>
        %dma_wait3A_60 = tpu.memref_slice %dma_wait3A_59[%add3A_27] : memref<327680xi32, #tpu.memory_space<hbm>> -> memref<128xi32, #tpu.memory_space<hbm>>
        tpu.wait_dma2 semaphore(%run_scoped3A : memref<!tpu.dma_semaphore, #tpu.memory_space<semaphore_mem>>) src(%dma_wait3A_60 : memref<128xi32, #tpu.memory_space<hbm>>) dst(%arg5 : memref<128xi32, #tpu.memory_space<vmem>>)
        tpu.yield
      }) : () -> ()
      "tpu.region"() ({
        %run_scoped3A = tpu.sem_alloc : memref<!tpu.dma_semaphore, #tpu.memory_space<semaphore_mem>>
        %dma_start3A_45 = arith.constant 0 : i32
        %dma_start3A_46 = tpu.memref_slice %arg3[%arg0, %dma_start3A_45] : memref<2x327680xi32, #tpu.memory_space<hbm>> -> memref<1x327680xi32, #tpu.memory_space<hbm>>
        %dma_start3A_47 = tpu.memref_squeeze %dma_start3A_46 : memref<1x327680xi32, #tpu.memory_space<hbm>> -> memref<327680xi32, #tpu.memory_space<hbm>>
        %dma_start3A_48 = tpu.memref_slice %dma_start3A_47[%add3A_29] : memref<327680xi32, #tpu.memory_space<hbm>> -> memref<128xi32, #tpu.memory_space<hbm>>
        %dma_start3A_49 = arith.constant 0 : i32
        %dma_start3A_50 = tpu.memref_slice %arg3[%arg0, %dma_start3A_49] : memref<2x327680xi32, #tpu.memory_space<hbm>> -> memref<1x327680xi32, #tpu.memory_space<hbm>>
        %dma_start3A_51 = tpu.memref_squeeze %dma_start3A_50 : memref<1x327680xi32, #tpu.memory_space<hbm>> -> memref<327680xi32, #tpu.memory_space<hbm>>
        %dma_start3A_52 = tpu.memref_slice %dma_start3A_51[%add3A_29] : memref<327680xi32, #tpu.memory_space<hbm>> -> memref<128xi32, #tpu.memory_space<hbm>>
        tpu.enqueue_dma source(%dma_start3A_52 : memref<128xi32, #tpu.memory_space<hbm>>) target(%arg6 : memref<128xi32, #tpu.memory_space<vmem>>) target_semaphore(%run_scoped3A : memref<!tpu.dma_semaphore, #tpu.memory_space<semaphore_mem>>)
        %dma_wait3A_53 = arith.constant 0 : i32
        %dma_wait3A_54 = tpu.memref_slice %arg3[%arg0, %dma_wait3A_53] : memref<2x327680xi32, #tpu.memory_space<hbm>> -> memref<1x327680xi32, #tpu.memory_space<hbm>>
        %dma_wait3A_55 = tpu.memref_squeeze %dma_wait3A_54 : memref<1x327680xi32, #tpu.memory_space<hbm>> -> memref<327680xi32, #tpu.memory_space<hbm>>
        %dma_wait3A_56 = tpu.memref_slice %dma_wait3A_55[%add3A_29] : memref<327680xi32, #tpu.memory_space<hbm>> -> memref<128xi32, #tpu.memory_space<hbm>>
        %dma_wait3A_57 = arith.constant 0 : i32
        %dma_wait3A_58 = tpu.memref_slice %arg3[%arg0, %dma_wait3A_57] : memref<2x327680xi32, #tpu.memory_space<hbm>> -> memref<1x327680xi32, #tpu.memory_space<hbm>>
        %dma_wait3A_59 = tpu.memref_squeeze %dma_wait3A_58 : memref<1x327680xi32, #tpu.memory_space<hbm>> -> memref<327680xi32, #tpu.memory_space<hbm>>
        %dma_wait3A_60 = tpu.memref_slice %dma_wait3A_59[%add3A_29] : memref<327680xi32, #tpu.memory_space<hbm>> -> memref<128xi32, #tpu.memory_space<hbm>>
        tpu.wait_dma2 semaphore(%run_scoped3A : memref<!tpu.dma_semaphore, #tpu.memory_space<semaphore_mem>>) src(%dma_wait3A_60 : memref<128xi32, #tpu.memory_space<hbm>>) dst(%arg6 : memref<128xi32, #tpu.memory_space<vmem>>)
        tpu.yield
      }) : () -> ()
      %dma_wait3A = arith.constant 0 : i32
      %dma_wait3A_37 = tpu.memref_slice %arg2[%add3A_27, %dma_wait3A] : memref<327680x128xf32, #tpu.memory_space<hbm>> -> memref<128x128xf32, #tpu.memory_space<hbm>>
      %dma_wait3A_38 = arith.constant 0 : i32
      %dma_wait3A_39 = tpu.memref_slice %arg2[%add3A_27, %dma_wait3A_38] : memref<327680x128xf32, #tpu.memory_space<hbm>> -> memref<128x128xf32, #tpu.memory_space<hbm>>
      tpu.wait_dma2 semaphore(%arg11 : memref<!tpu.dma_semaphore, #tpu.memory_space<semaphore_mem>>) src(%dma_wait3A_39 : memref<128x128xf32, #tpu.memory_space<hbm>>) dst(%arg7 : memref<128x128xf32, #tpu.memory_space<vmem>>)
      "tpu.region"() ({
        %run_scoped3A = tpu.sem_alloc : memref<!tpu.dma_semaphore, #tpu.memory_space<semaphore_mem>>
        %dma_start3A_45 = arith.constant 0 : i32
        %dma_start3A_46 = arith.constant 0 : i32
        %dma_start3A_47 = tpu.memref_slice %arg10[%dma_start3A_45, %dma_start3A_46] : memref<5248x128xf32, #tpu.memory_space<vmem_shared>> -> memref<5248x128xf32, #tpu.memory_space<vmem_shared>>
        tpu.enqueue_indirect_dma source(%arg7 : memref<128x128xf32, #tpu.memory_space<vmem>>) target(%dma_start3A_47 : memref<5248x128xf32, #tpu.memory_space<vmem_shared>>) offsets(%arg5 : memref<128xi32, #tpu.memory_space<vmem>>) semaphore(%run_scoped3A : memref<!tpu.dma_semaphore, #tpu.memory_space<semaphore_mem>>) {add = true}
        %dma_wait3A_48 = arith.constant 0 : i32
        %dma_wait3A_49 = arith.constant 0 : i32
        %dma_wait3A_50 = tpu.memref_slice %arg10[%dma_wait3A_48, %dma_wait3A_49] : memref<5248x128xf32, #tpu.memory_space<vmem_shared>> -> memref<5248x128xf32, #tpu.memory_space<vmem_shared>>
        tpu.wait_indirect_dma semaphore(%run_scoped3A : memref<!tpu.dma_semaphore, #tpu.memory_space<semaphore_mem>>) src(%arg7 : memref<128x128xf32, #tpu.memory_space<vmem>>) dst(%dma_wait3A_50 : memref<5248x128xf32, #tpu.memory_space<vmem_shared>>)
        tpu.yield
      }) : () -> ()
      %dma_wait3A_40 = arith.constant 0 : i32
      %dma_wait3A_41 = tpu.memref_slice %arg2[%add3A_29, %dma_wait3A_40] : memref<327680x128xf32, #tpu.memory_space<hbm>> -> memref<128x128xf32, #tpu.memory_space<hbm>>
      %dma_wait3A_42 = arith.constant 0 : i32
      %dma_wait3A_43 = tpu.memref_slice %arg2[%add3A_29, %dma_wait3A_42] : memref<327680x128xf32, #tpu.memory_space<hbm>> -> memref<128x128xf32, #tpu.memory_space<hbm>>
      tpu.wait_dma2 semaphore(%arg12 : memref<!tpu.dma_semaphore, #tpu.memory_space<semaphore_mem>>) src(%dma_wait3A_43 : memref<128x128xf32, #tpu.memory_space<hbm>>) dst(%arg8 : memref<128x128xf32, #tpu.memory_space<vmem>>)
      "tpu.region"() ({
        %run_scoped3A = tpu.sem_alloc : memref<!tpu.dma_semaphore, #tpu.memory_space<semaphore_mem>>
        %dma_start3A_45 = arith.constant 0 : i32
        %dma_start3A_46 = arith.constant 0 : i32
        %dma_start3A_47 = tpu.memref_slice %arg10[%dma_start3A_45, %dma_start3A_46] : memref<5248x128xf32, #tpu.memory_space<vmem_shared>> -> memref<5248x128xf32, #tpu.memory_space<vmem_shared>>
        tpu.enqueue_indirect_dma source(%arg8 : memref<128x128xf32, #tpu.memory_space<vmem>>) target(%dma_start3A_47 : memref<5248x128xf32, #tpu.memory_space<vmem_shared>>) offsets(%arg6 : memref<128xi32, #tpu.memory_space<vmem>>) semaphore(%run_scoped3A : memref<!tpu.dma_semaphore, #tpu.memory_space<semaphore_mem>>) {add = true}
        %dma_wait3A_48 = arith.constant 0 : i32
        %dma_wait3A_49 = arith.constant 0 : i32
        %dma_wait3A_50 = tpu.memref_slice %arg10[%dma_wait3A_48, %dma_wait3A_49] : memref<5248x128xf32, #tpu.memory_space<vmem_shared>> -> memref<5248x128xf32, #tpu.memory_space<vmem_shared>>
        tpu.wait_indirect_dma semaphore(%run_scoped3A : memref<!tpu.dma_semaphore, #tpu.memory_space<semaphore_mem>>) src(%arg8 : memref<128x128xf32, #tpu.memory_space<vmem>>) dst(%dma_wait3A_50 : memref<5248x128xf32, #tpu.memory_space<vmem_shared>>)
        tpu.yield
      }) : () -> ()
      %scan3A_44 = arith.constant 0 : i32
      scf.yield %scan3A_44 : i32
    }
    %scan3A_15 = arith.constant 80 : i32
    %barrier3A_16 = arith.constant 0 : index
    tpu.barrier barrier_id(%barrier3A_16)
    %mul3A_17 = arith.constant 328 : i32
    %mul3A_18 = arith.muli %arg1, %mul3A_17 : i32
    "tpu.region"() ({
      %run_scoped3A = tpu.sem_alloc : memref<!tpu.dma_semaphore, #tpu.memory_space<semaphore_mem>>
      %dma_start3A = arith.constant 0 : i32
      %dma_start3A_21 = tpu.memref_slice %arg10[%mul3A_18, %dma_start3A] : memref<5248x128xf32, #tpu.memory_space<vmem_shared>> -> memref<328x128xf32, #tpu.memory_space<vmem_shared>>
      %dma_start3A_22 = arith.constant 0 : i32
      %dma_start3A_23 = tpu.memref_slice %arg10[%mul3A_18, %dma_start3A_22] : memref<5248x128xf32, #tpu.memory_space<vmem_shared>> -> memref<328x128xf32, #tpu.memory_space<vmem_shared>>
      tpu.enqueue_dma source(%dma_start3A_23 : memref<328x128xf32, #tpu.memory_space<vmem_shared>>) target(%arg9 : memref<328x128xf32, #tpu.memory_space<vmem>>) target_semaphore(%run_scoped3A : memref<!tpu.dma_semaphore, #tpu.memory_space<semaphore_mem>>)
      %dma_wait3A = arith.constant 0 : i32
      %dma_wait3A_24 = tpu.memref_slice %arg10[%mul3A_18, %dma_wait3A] : memref<5248x128xf32, #tpu.memory_space<vmem_shared>> -> memref<328x128xf32, #tpu.memory_space<vmem_shared>>
      %dma_wait3A_25 = arith.constant 0 : i32
      %dma_wait3A_26 = tpu.memref_slice %arg10[%mul3A_18, %dma_wait3A_25] : memref<5248x128xf32, #tpu.memory_space<vmem_shared>> -> memref<328x128xf32, #tpu.memory_space<vmem_shared>>
      tpu.wait_dma2 semaphore(%run_scoped3A : memref<!tpu.dma_semaphore, #tpu.memory_space<semaphore_mem>>) src(%dma_wait3A_26 : memref<328x128xf32, #tpu.memory_space<vmem_shared>>) dst(%arg9 : memref<328x128xf32, #tpu.memory_space<vmem>>)
      tpu.yield
    }) : () -> ()
    %mul3A_19 = arith.constant 5248 : i32
    %mul3A_20 = arith.muli %arg0, %mul3A_19 : i32
    %add3A = arith.addi %mul3A_20, %mul3A_18 : i32
    "tpu.region"() ({
      %run_scoped3A = tpu.sem_alloc : memref<!tpu.dma_semaphore, #tpu.memory_space<semaphore_mem>>
      %dma_start3A = arith.constant 0 : i32
      %dma_start3A_21 = tpu.memref_slice %arg4[%add3A, %dma_start3A] : memref<10496x128xf32, #tpu.memory_space<hbm>> -> memref<328x128xf32, #tpu.memory_space<hbm>>
      %dma_start3A_22 = arith.constant 0 : i32
      %dma_start3A_23 = tpu.memref_slice %arg4[%add3A, %dma_start3A_22] : memref<10496x128xf32, #tpu.memory_space<hbm>> -> memref<328x128xf32, #tpu.memory_space<hbm>>
      tpu.enqueue_dma source(%arg9 : memref<328x128xf32, #tpu.memory_space<vmem>>) target(%dma_start3A_23 : memref<328x128xf32, #tpu.memory_space<hbm>>) target_semaphore(%run_scoped3A : memref<!tpu.dma_semaphore, #tpu.memory_space<semaphore_mem>>)
      %dma_wait3A = arith.constant 0 : i32
      %dma_wait3A_24 = tpu.memref_slice %arg4[%add3A, %dma_wait3A] : memref<10496x128xf32, #tpu.memory_space<hbm>> -> memref<328x128xf32, #tpu.memory_space<hbm>>
      %dma_wait3A_25 = arith.constant 0 : i32
      %dma_wait3A_26 = tpu.memref_slice %arg4[%add3A, %dma_wait3A_25] : memref<10496x128xf32, #tpu.memory_space<hbm>> -> memref<328x128xf32, #tpu.memory_space<hbm>>
      tpu.wait_dma2 semaphore(%run_scoped3A : memref<!tpu.dma_semaphore, #tpu.memory_space<semaphore_mem>>) src(%arg9 : memref<328x128xf32, #tpu.memory_space<vmem>>) dst(%dma_wait3A_26 : memref<328x128xf32, #tpu.memory_space<hbm>>)
      tpu.yield
    }) : () -> ()
    return
  }
}

</mosaic_0001>

<sc_bundles>
// kernel: _seg_add.3.cloned.1.call-start
scs
__scs_entry_jumppad:
0x0: {  	(pc) =	sbr.rel $0x88, $3  }
0x1: {  	(tag) =	ssettag $0x0;
	lr =	simm.s32 $0x1  }
0x2: {  	[smem:$0x3F9F] =	sst lr;
	_ =	strace $0xD0000000  }
0x3: {  	_ = 	snop  }
0x4: {  	_ = 	snop  }
0x5: {  	_ = 	snop  }
0x6: {  	_ = 	snop  }
0x7: {  	_ = 	snop  }
__scs_overlays_trampoline_lowered:
0x8: {  	[smem:$0x3FAE] =	sst s0  }
0x9: {  	[smem:$0x3FAF] =	sst s1  }
0xa: {  	[smem:$0x3FB0] =	sst s2  }
0xb: {  	[smem:$0x3FB1] =	sst s3  }
0xc: {  	[smem:$0x3FB2] =	sst s4  }
0xd: {  	[smem:$0x3FB3] =	sst s5  }
0xe: {  	[smem:$0x3FB4] =	sst s6  }
0xf: {  	[smem:$0x3FB5] =	sst s7  }
0x10: {  	[smem:$0x3FB6] =	sst s8  }
0x11: {  	[smem:$0x3FB7] =	sst s9;
	s0 =	simm.s32 @!p0 $0x0  }
0x12: {  	s1 =	sld [smem:$0x3F9D];
	s0 =	simm.s32 @p0 $0x1  }
0x13: {  	[smem:$0x3FB8] =	sst s0;
	s0 =	simm.s32 @!p1 $0x0  }
0x14: {  	s2 =	sld [smem:$0x3F9C];
	s0 =	simm.s32 @p1 $0x1  }
0x15: {  	[smem:$0x3FB9] =	sst s0;
	s0 =	simm.s32 @!p2 $0x0  }
0x16: {  	s3 =	sld [smem:$0x3FDB];
	s0 =	simm.s32 @p2 $0x1  }
0x17: {  	s4 =	simm.s32 $0x1BF5;
	[smem:$0x3FBB] =	sst s0  }
0x18: {  	s0 =	sld [smem:$0x3F9E];
	_ =	swait.ge [sflag:s4], $0x0  }
0x19: {  	s7 =	sld [smem:$0x3F9F]  }
0x1a: {  	s8 =	sadd.s32 $0xFFFFE003, lr  }
0x1b: {  	s9 =	sadd.s32 $0xFFFFFEF7, lr;
	s5 =	simm.s32 $0xFFFFFFFF;
	p2 =	slt.u32 s8, $0xFFFFF086  }
0x1c: {  	p1 =	slt.u32 s9, $0xF7A;
	s5 =	simm.s32 @!p2 $0x0  }
0x1d: {  	s5 =	simm.s32 @p1 $0x1;
	p0 =	seq.s32 s7, s2  }
0x1e: {  	s7 =	smul.u32 @!p0 $0xF7A, s2;
	p2 =	seq.s32 @!p0 s5, $0x0  }
0x1f: {  	s9 =	smul.u32 $0xF7A, s1;
	s8 =	simm.s32 @!p0 $0x1BF5;
	p2 =	por !p2, p0  }
0x20: {  	[sflag:s8] =	ssyncset.s32 @!p0 $0xFFFFF086;
	s6 =	sadd.s32 @!p0 s3, s7;
	s7 =	simm.s32 @!p0 $0x108  }
0x21: {  	s3 =	sadd.s32 s3, s9;
	s6 =	sadd.s32 @!p0 $0x88, s6;
	s7 =	simm.s32 @p2 $0x1082  }
0x22: {  	[simem:s7], [sflag:s8] =	dma.local @!p0 [hbm:s6], $0xF7A  }
0x23: {  	s9 =	sor.u32 $0xD0000000, s2;
	s6 =	simm.s32 $0x108;
	_ =	swait.ge @!p0 [sflag:s8], $0x0  }
0x24: {  	s3 =	sadd.s32 $0x88, s3;
	s6 =	simm.s32 @!p1 $0x1082;
	[sflag:s4] =	ssyncset.s32 $0xFFFFF086  }
0x25: {  	[simem:s6], [sflag:s4] =	dma.local [hbm:s3], $0xF7A  }
0x26: {  	[smem:$0x3F9F] =	sst s1;
	(tag) =	ssettag s2;
	_ =	strace s9  }
0x27: {  	s1 =	sld [smem:$0x3FAF]  }
0x28: {  	s2 =	sld [smem:$0x3FB0]  }
0x29: {  	s4 =	sld [smem:$0x3FB2]  }
0x2a: {  	p0 =	seq.s32 s5, $0x0;
	s5 =	sld [smem:$0x3FB3]  }
0x2b: {  	s6 =	sld [smem:$0x3FB4]  }
0x2c: {  	s7 =	sld [smem:$0x3FB5]  }
0x2d: {  	s3 =	simm.s32 $0x108;
	s8 =	sld [smem:$0x3FB6]  }
0x2e: {  	s3 =	simm.s32 @!p0 $0x1082;
	s9 =	sld [smem:$0x3FB7]  }
0x2f: {  	lr =	sadd.s32 s0, s3;
	s0 =	sld [smem:$0x3FAE]  }
0x30: {  	s3 =	sld [smem:$0x3FB1]  }
0x31: {  	[smem:$0x3FBA] =	sst s10  }
0x32: {  	s10 =	sld [smem:$0x3FB8];
	_ =	sdelay $0x3  }
0x33: {  	p0 =	seq.s32 s10, $0x1;
	s10 =	sld [smem:$0x3FBA];
	_ =	sdelay $0x3  }
0x34: {  	[smem:$0x3FBA] =	sst s10  }
0x35: {  	s10 =	sld [smem:$0x3FB9];
	_ =	sdelay $0x3  }
0x36: {  	p1 =	seq.s32 s10, $0x1;
	s10 =	sld [smem:$0x3FBA];
	_ =	sdelay $0x3  }
0x37: {  	[smem:$0x3FBA] =	sst s10  }
0x38: {  	s10 =	sld [smem:$0x3FBB]  }
0x39: {  	_ = 	snop;
	(pc) =	sbr.ind lr, $3  }
0x3a: {  	_ = 	snop  }
0x3b: {  	_ = 	snop  }
0x3c: {  	p2 =	seq.s32 s10, $0x1;
	s10 =	sld [smem:$0x3FBA]  }
0x3d: {  	_ =	shalt  }
0x3e: {  	_ =	shalt  }
0x3f: {  	_ =	shalt  }
0x40: {  	_ =	shalt  }
0x41: {  	_ =	shalt  }
0x42: {  	_ =	shalt  }
0x43: {  	_ =	shalt  }
0x44: {  	_ =	shalt  }
0x45: {  	_ =	shalt  }
0x46: {  	_ =	shalt  }
0x47: {  	_ =	shalt  }
0x48: {  	_ =	shalt  }
0x49: {  	_ =	shalt  }
0x4a: {  	_ =	shalt  }
0x4b: {  	_ =	shalt  }
0x4c: {  	_ =	shalt  }
0x4d: {  	_ =	shalt  }
0x4e: {  	_ =	shalt  }
0x4f: {  	_ =	shalt  }
0x50: {  	_ =	shalt  }
0x51: {  	_ =	shalt  }
0x52: {  	_ =	shalt  }
0x53: {  	_ =	shalt  }
0x54: {  	_ =	shalt  }
0x55: {  	_ =	shalt  }
0x56: {  	_ =	shalt  }
0x57: {  	_ =	shalt  }
0x58: {  	_ =	shalt  }
0x59: {  	_ =	shalt  }
0x5a: {  	_ =	shalt  }
0x5b: {  	_ =	shalt  }
0x5c: {  	_ =	shalt  }
0x5d: {  	_ =	shalt  }
0x5e: {  	_ =	shalt  }
0x5f: {  	_ =	shalt  }
0x60: {  	_ =	shalt  }
0x61: {  	_ =	shalt  }
0x62: {  	_ =	shalt  }
0x63: {  	_ =	shalt  }
0x64: {  	_ =	shalt  }
0x65: {  	_ =	shalt  }
0x66: {  	_ =	shalt  }
0x67: {  	_ =	shalt  }
0x68: {  	_ =	shalt  }
0x69: {  	_ =	shalt  }
0x6a: {  	_ =	shalt  }
0x6b: {  	_ =	shalt  }
0x6c: {  	_ =	shalt  }
0x6d: {  	_ =	shalt  }
0x6e: {  	_ =	shalt  }
0x6f: {  	_ =	shalt  }
0x70: {  	_ =	shalt  }
0x71: {  	_ =	shalt  }
0x72: {  	_ =	shalt  }
0x73: {  	_ =	shalt  }
0x74: {  	_ =	shalt  }
0x75: {  	_ =	shalt  }
0x76: {  	_ =	shalt  }
0x77: {  	_ =	shalt  }
0x78: {  	_ =	shalt  }
0x79: {  	_ =	shalt  }
0x7a: {  	_ =	shalt  }
0x7b: {  	_ =	shalt  }
0x7c: {  	_ =	shalt  }
0x7d: {  	_ =	shalt  }
0x7e: {  	_ =	shalt  }
0x7f: {  	_ =	shalt  }
0x80: {  	_ =	shalt  }
0x81: {  	_ =	shalt  }
0x82: {  	_ =	shalt  }
0x83: {  	_ =	shalt  }
0x84: {  	_ =	shalt  }
0x85: {  	_ =	shalt  }
0x86: {  	_ =	shalt  }
0x87: {  	_ =	shalt  }
.Lfunc_end0:
.L_simem_size_0:
called_computation_lowered:
.L_overlay_start_0:
0x88: {  	s2 =	sld [smem:$0x3FD9]  }
0x89: {  	s3 =	sld [smem:$0x3FFE];
	_ =	sdelay $0x1  }
0x8a: {  	s1 =	srdreg.scid  }
0x8b: {  	s0 =	sand.u32 $0x1, s1  }
0x8c: {  	s17 =	sshll.u32 s0, $0xA;
	s2 =	sadd.s32 s3, s2  }
0x8d: {  	s2 =	sadd.s32 s2, s17  }
0x8e: {  	[smem:$0x3FC6] =	sst s2  }
0x8f: {  	_ = 	snop  }
0x90: {  	s2 =	sld [smem:$0x3FC9]  }
0x91: {  	s18 =	sld [smem:$0x3FC8];
	(tm) =	ssettm $0x1  }
0x92: {  	s4 =	sld [smem:$0x3FFB];
	_ =	sdelay $0x3  }
0x93: {  	_ =	strace s4  }
0x94: {  	s4 =	sld [smem:$0x3FFC];
	_ =	sdelay $0x3  }
0x95: {  	_ =	strace s4  }
0x96: {  	s4 =	sld [smem:$0x3FFD];
	_ =	sdelay $0x3  }
0x97: {  	_ =	strace s4  }
0x98: {  	_ =	strace $0x8FFFFFFF  }
0x99: {  	s19 =	sld [smem:$0x3FDB];
	_ =	sdelay $0x1  }
0x9a: {  	s5 =	simm.s32 $_scs_section_size  }
0x9b: {  	s6 =	simm.s32 $_size__tile_overlayer_lowered;
	s7 =	simm.s32 $_tile_overlayer_lowered  }
0x9c: {  	s22 =	simm.s32 $0x1BFF;
	s21 =	sshll.u32 s7, $0x1;
	s4 =	sadd.s32 s5, s19  }
0x9d: {  	s8 =	simm.s32 $0x0;
	s20 =	sshll.u32 s6, $0x1;
	s6 =	sadd.s32 s21, s4  }
0x9e: {  	[timem:s8], [sflag:s22] =	dma.local [hbm:s6], s20  }
0x9f: {  	_ =	swait.ge [sflag:s22], s20  }
0xa0: {  	s5 =	ssub.s32 $0x0, s20;
	[sflag:s22] =	ssyncset.done $0x0  }
0xa1: {  	[sflag:s22] =	ssyncadd.s32 s5;
	_ =	sdelay $0x1  }
0xa2: {  	s23 =	simm.s32 $0x1B8B  }
0xa3: {  	_ =	swait.ge [sflag:s23], $0x1  }
0xa4: {  	[sflag:s23] =	ssyncset.done $0x0  }
0xa5: {  	s25 =	simm.s32 $0x1B8E;
	s24 =	sld [smem:$0x3FFE];
	[sflag:s23] =	ssyncadd.s32 $0xFFFFFFFF  }
0xa6: {  	s26 =	simm.s32 $execute0_lowered;
	[smem:$0x3FD2] =	sst s25  }
0xa7: {  	s6 =	sshll.u32 s26, $0x1;
	_ =	strace $0x80000046;
	[dreg:$0x1] =	wrdreg $0xFFFFFFFF  }
0xa8: {  	s28 =	simm.s32 $_size_execute0_lowered;
	s4 =	sadd.s32 s4, s6;
	[dreg:$0x0] =	wrdreg $0x0  }
0xa9: {  	s6 =	sshll.u32 s28, $0x1;
	[dreg:$0x2] =	wrdreg s4  }
0xaa: {  	[dreg:$0x3] =	wrdreg s6  }
0xab: {  	[dreg:$0x4] =	wrdreg $0xC0  }
0xac: {  	_ =	task [dreg:s8], $0x5FFFF  }
0xad: {  	[dreg:$0x1] =	wrdreg $0xFFFFFFFF  }
0xae: {  	[dreg:$0x0] =	wrdreg $0x60  }
0xaf: {  	[dreg:$0x2] =	wrdreg s2  }
0xb0: {  	[dreg:$0x3] =	wrdreg s18  }
0xb1: {  	[dreg:$0x4] =	wrdreg s24  }
0xb2: {  	[dreg:$0x5] =	wrdreg $0x125000  }
0xb3: {  	[dreg:$0x6] =	wrdreg $0x9  }
0xb4: {  	_ =	task.clear_ibuf [dreg:s8], $0x7FFFF;
	_ =	strace $0x90000046  }
0xb5: {  	s29 =	simm.s32 $0x9;
	_ =	strace $0x80000048  }
0xb6: {  	_ =	swait.ge [sflag:s29], $0x1  }
0xb7: {  	[sflag:s29] =	ssyncadd.s32 $0xFFFFFFFF  }
0xb8: {  	_ =	strace $0x90000048  }
0xb9: {  	_ =	sfence  }
0xba: {  	s30 =	sld [smem:$0x0];
	_ =	sdelay $0x2  }
0xbb: {  	s31 =	sshll.u32 s1, $0xD;
	s1 =	sshrl.u32 s1, $0x2  }
0xbc: {  	s3 =	sand.u32 $0x4000, s31;
	s1 =	sadd.s32 s1, s30  }
0xbd: {  	s0 =	sor.u32 s3, s0;
	s1 =	sshll.u32 s1, $0x11  }
0xbe: {  	s0 =	sor.u32 s1, s0  }
0xbf: {  	s0 =	sadd.s32 $0x8F2B, s0  }
0xc0: {  	[sflag:s0] =	ssyncadd.remote.s32 $0x1  }
0xc1: {  	_ =	sfence.sel $0xFFFF  }
0xc2: {  	[dreg:$0x0] =	wrdreg $0xFFFFFFFF;
	(pc) =	sbr.abs _section_cstart, $3  }
0xc3: {  	[dreg:$0x1] =	wrdreg $0xFFFFFFFF  }
0xc4: {  	_ =	task.clear_ibuf [dreg:s8], $0x2FFFF;
	_ =	strace $0x9FFFFFFF  }
0xc5: {  	(tm) =	ssettm $0x7FFFFFFF  }
tec
execute0_lowered:
.L_overlay_start_1:
0x0: {  	(tag) =	ssettag $0x1  }
0x1: {  	s7 =	rddreg [dreg:$0x0]  }
0x2: {  	s5 =	rddreg [dreg:$0x1]  }
0x3: {  	s4 =	rddreg [dreg:$0x2]  }
0x4: {  	s1 =	srdreg.scid;
	s0 =	stileid.u32  }
0x5: {  	s2 =	rddreg [dreg:$0x3];
	s8 =	smul.u32 $0x1480, s0  }
0x6: {  	s3 =	simm.s32 $0x0;
	s14 =	simm.s32 $0x1;
	s11 =	smul.u32 $0x29000, s0  }
0x7: {  	s15 =	simm.s32 $0x2;
	s16 =	simm.s32 $0x0;
	s31 =	smul.u32 $0x50000, s0  }
0x8: {  	s6 =	sand.u32 $0x1, s1;
	s1 =	rddreg [dreg:$0x4];
	s13 =	smul.u32 $0x1400, s0  }
0x9: {  	[smem:$0x7FF] =	sst s3;
	s9 =	smul.u32 $0x14800, s6;
	s10 =	ssub.s32 $0x2, s6  }
0xa: {  	_ =	strace $0x80000047;
	s6 =	sshll.u32 s6, $0x4;
	s29 =	sshrl.u32 s10, $0x1  }
0xb: {  	s30 =	sshrl.u32 s11, $0x2;
	s12 =	sadd.s32 s5, s6;
	s7 =	sadd.s32 s31, s7  }
0xc: {  	s11 =	simm.s32 $0x4100;
	s8 =	sadd.s32 s8, s9;
	s9 =	ssub.s32 s10, s29  }
0xd: {  	s10 =	simm.s32 $0x100;
	s12 =	sadd.s32 s12, s13;
	s13 =	simm.s32 $0x80  }
0xe: {  	s8 =	sadd.s32 s8, s4;
	s4 =	sadd.s32 s30, s2;
	s6 =	smax.u32 s9, $0x1  }
0xf: {  	v0 =	vimm.f32 $0.0e+00;
	s9 =	simm.s32 $0x3;
	s5 =	sadd.s32 $0xC00, s8;
	s8 =	simm.s32 $0x8100  }
.LBB2_1:
0x10: {  	s17 =	simm.s32 $0x0;
	s18 =	simm.s32 $0x200  }
.LBB2_2:
0x11: {  	p0 =	sne.s32 s18, $0x28E00;
	[tilespmem:s17+$0x8170] =	vst v0  }
0x12: {  	[tilespmem:s17+$0x8100] =	vst v0  }
0x13: {  	[tilespmem:s17+$0x8110] =	vst v0  }
.Ltmp0:
0x14: {  	[tilespmem:s17+$0x8120] =	vst v0;
	(pc) =	sbr.rel @p0 .LBB2_2-.Ltmp0, $4  }
0x15: {  	[tilespmem:s17+$0x8130] =	vst v0  }
0x16: {  	[tilespmem:s17+$0x8140] =	vst v0  }
0x17: {  	[tilespmem:s17+$0x8150] =	vst v0  }
0x18: {  	[tilespmem:s17+$0x8160] =	vst v0;
	s17 =	sshra.s32 s18, $0x2;
	s18 =	sadd.s32 $0x200, s18  }
0x19: {  	[tilespmem:s17+$0x8170] =	vst v0  }
0x1a: {  	[tilespmem:s17+$0x8100] =	vst v0  }
0x1b: {  	[tilespmem:s17+$0x8110] =	vst v0  }
0x1c: {  	[tilespmem:s17+$0x8120] =	vst v0  }
0x1d: {  	[tilespmem:s17+$0x8130] =	vst v0  }
0x1e: {  	[tilespmem:s17+$0x8140] =	vst v0  }
0x1f: {  	[tilespmem:s17+$0x8150] =	vst v0  }
0x20: {  	[tilespmem:s17+$0x8160] =	vst v0  }
0x21: {  	[spmem:s4] =	stream.linear.scatter [tilespmem:s8], [sflag:$0x3], $0xA400, $0x38;
	[tilespmem:$0x1C900] =	vst v63  }
0x22: {  	_ =	swait.ge [sflag:s9], $0xA400  }
0x23: {  	[sflag:s9] =	ssyncset.done $0x0  }
0x24: {  	[sflag:s9] =	ssyncadd.s32 $0xFFFF5C00  }
0x25: {  	[bflag:$0x0] =	sbarrier.arrive $0xFFFF  }
0x26: {  	[tilespmem:s10], [sflag:$0x1] =	stream.linear.gather [hbm4b:s7+s3], $0x4000, $0x38;
	[tilespmem:$0x1C900] =	vst v63  }
0x27: {  	s30 =	sadd.s32 $0x800, s7  }
0x28: {  	[tilespmem:s11], [sflag:$0x2] =	stream.linear.gather [hbm4b:s30+s3], $0x4000, $0x38;
	[tilespmem:$0x1C900] =	vst v63  }
0x29: {  	s31 =	sadd.s32 $0x0, s12  }
0x2a: {  	[tilespmem:s3], [sflag:$0x3] =	stream.linear.gather [hbm4b:s31+s3], $0x80, $0x38;
	[tilespmem:$0x1C900] =	vst v63  }
0x2b: {  	_ =	swait.ge [sflag:s9], $0x80  }
0x2c: {  	[sflag:s9] =	ssyncset.done $0x0  }
0x2d: {  	s17 =	sadd.s32 $0x20, s31;
	[sflag:s9] =	ssyncadd.s32 $0xFFFFFF80  }
0x2e: {  	[tilespmem:s13], [sflag:$0x3] =	stream.linear.gather [hbm4b:s17+s3], $0x80, $0x38;
	[tilespmem:$0x1C900] =	vst v63  }
0x2f: {  	_ =	swait.ge [sflag:s9], $0x80  }
0x30: {  	[sflag:s9] =	ssyncset.done $0x0  }
0x31: {  	[sflag:s9] =	ssyncadd.s32 $0xFFFFFF80  }
0x32: {  	_ =	swait.ge [sflag:s14], $0x4000  }
0x33: {  	[sflag:s14] =	ssyncset.done $0x0  }
0x34: {  	[sflag:s14] =	ssyncadd.s32 $0xFFFFC000  }
0x35: {  	[spmem:s2] =	stream.indirect.scatter.add.f32 [tilespmem:s10], [sflag:$0x3], $0x80, s3, s13, $0xb8;
	[tilespmem:$0x1C900] =	vst v63  }
0x36: {  	_ =	swait.ge [sflag:s9], $0x4000  }
0x37: {  	[sflag:s9] =	ssyncset.done $0x0  }
0x38: {  	[sflag:s9] =	ssyncadd.s32 $0xFFFFC000  }
0x39: {  	_ =	swait.ge [sflag:s15], $0x4000  }
0x3a: {  	[sflag:s15] =	ssyncset.done $0x0  }
0x3b: {  	[sflag:s15] =	ssyncadd.s32 $0xFFFFC000  }
0x3c: {  	[spmem:s2] =	stream.indirect.scatter.add.f32 [tilespmem:s11], [sflag:$0x3], $0x80, s13, s13, $0xb8;
	[tilespmem:$0x1C900] =	vst v63  }
0x3d: {  	_ =	swait.ge [sflag:s9], $0x4000  }
0x3e: {  	s18 =	smov.u32 s7;
	s17 =	simm.s32 $0x40;
	[sflag:s9] =	ssyncset.done $0x0  }
.LBB2_4:
0x3f: {  	p0 =	sne.s32 s17, $0x13C0;
	[sflag:s9] =	ssyncadd.s32 $0xFFFFC000;
	s18 =	sadd.s32 $0x1000, s18  }
0x40: {  	[tilespmem:s10], [sflag:$0x1] =	stream.linear.gather [hbm4b:s18+s3], $0x4000, $0x38;
	[tilespmem:$0x1C900] =	vst v63  }
0x41: {  	s20 =	smov.u32 s17;
	s17 =	sadd.s32 $0x40, s17;
	s19 =	sadd.s32 $0x800, s18  }
0x42: {  	[tilespmem:s11], [sflag:$0x2] =	stream.linear.gather [hbm4b:s19+s3], $0x4000, $0x38;
	[tilespmem:$0x1C900] =	vst v63  }
0x43: {  	s19 =	sadd.s32 s20, s12  }
0x44: {  	[tilespmem:s3], [sflag:$0x3] =	stream.linear.gather [hbm4b:s19+s3], $0x80, $0x38;
	[tilespmem:$0x1C900] =	vst v63  }
0x45: {  	_ =	swait.ge [sflag:s9], $0x80  }
0x46: {  	[sflag:s9] =	ssyncset.done $0x0  }
0x47: {  	s19 =	sadd.s32 $0x20, s19;
	[sflag:s9] =	ssyncadd.s32 $0xFFFFFF80  }
0x48: {  	[tilespmem:s13], [sflag:$0x3] =	stream.linear.gather [hbm4b:s19+s3], $0x80, $0x38;
	[tilespmem:$0x1C900] =	vst v63  }
0x49: {  	_ =	swait.ge [sflag:s9], $0x80  }
0x4a: {  	[sflag:s9] =	ssyncset.done $0x0  }
0x4b: {  	[sflag:s9] =	ssyncadd.s32 $0xFFFFFF80  }
0x4c: {  	_ =	swait.ge [sflag:s14], $0x4000  }
0x4d: {  	[sflag:s14] =	ssyncset.done $0x0  }
0x4e: {  	[sflag:s14] =	ssyncadd.s32 $0xFFFFC000  }
0x4f: {  	[spmem:s2] =	stream.indirect.scatter.add.f32 [tilespmem:s10], [sflag:$0x3], $0x80, s3, s13, $0xb8;
	[tilespmem:$0x1C900] =	vst v63  }
0x50: {  	_ =	swait.ge [sflag:s9], $0x4000  }
0x51: {  	[sflag:s9] =	ssyncset.done $0x0  }
0x52: {  	[sflag:s9] =	ssyncadd.s32 $0xFFFFC000  }
0x53: {  	_ =	swait.ge [sflag:s15], $0x4000  }
.Ltmp1:
0x54: {  	[sflag:s15] =	ssyncset.done $0x0;
	(pc) =	sbr.rel @p0 .LBB2_4-.Ltmp1, $4  }
0x55: {  	[sflag:s15] =	ssyncadd.s32 $0xFFFFC000  }
0x56: {  	[spmem:s2] =	stream.indirect.scatter.add.f32 [tilespmem:s11], [sflag:$0x3], $0x80, s13, s13, $0xb8;
	[tilespmem:$0x1C900] =	vst v63  }
0x57: {  	_ =	swait.ge [sflag:s9], $0x4000  }
0x58: {  	[sflag:s9] =	ssyncset.done $0x0  }
0x59: {  	[sflag:s9] =	ssyncadd.s32 $0xFFFFC000  }
0x5a: {  	[bflag:$0x0] =	sbarrier.arrive $0xFFFF  }
0x5b: {  	[tilespmem:s8], [sflag:$0x3] =	stream.linear.gather [spmem:s4], $0xA400, $0x38;
	[tilespmem:$0x1C900] =	vst v63  }
0x5c: {  	s16 =	sadd.s32 $0x1, s16;
	_ =	swait.ge [sflag:s9], $0xA400  }
0x5d: {  	p0 =	sne.s32 s16, s6;
	[sflag:s9] =	ssyncset.done $0x0  }
.Ltmp2:
0x5e: {  	[sflag:s9] =	ssyncadd.s32 $0xFFFF5C00;
	(pc) =	sbr.rel @p0 .LBB2_1-.Ltmp2, $4  }
0x5f: {  	[hbm4b:s5+s3] =	stream.linear.scatter [tilespmem:s8], [sflag:$0x3], $0xA400, $0x38;
	[tilespmem:$0x1C900] =	vst v63  }
0x60: {  	_ =	swait.ge [sflag:s9], $0xA400  }
0x61: {  	[sflag:s9] =	ssyncset.done $0x0  }
0x62: {  	[sflag:s9] =	ssyncadd.s32 $0xFFFF5C00  }
0x63: {  	_ =	sfence.sel $0x180000  }
0x64: {  	[bflag:$0x0] =	sbarrier.arrive $0xFFFF  }
0x65: {  	p0 =	sne.s32 s0, $0x0;
	_ =	strace $0x90000047  }
0x66: {  	s0 =	sadd.s32 @!p0 $0x100000, s1;
	[bflag:$0x2] =	sbarrier.arrive $0xFFFF  }
0x67: {  	[sflag:s0] =	ssyncadd.tile.s32 @!p0 $0x1;
	_ =	shalt  }
.Lfunc_end2:
_tile_overlayer_lowered:
.L_overlay_start_2:
0x68: {  	(tag) =	ssettag $0x2  }
0x69: {  	s0 =	rddreg [dreg:$0x0];
	s2 =	stileid.u32  }
0x6a: {  	s1 =	rddreg [dreg:$0x1];
	p0 =	sne.s32 s2, $0x0  }
0x6b: {  	s3 =	rddreg [dreg:$0x2];
	[bflag:$0x3] =	sbarrier.arrive $0xFFFF;
	s2 =	simm.s32 @!p0 $0x1C03  }
0x6c: {  	[timem:s3], [sflag:s2] =	dma.local @!p0 [hbm:s0], s1  }
0x6d: {  	s0 =	simm.s32 @!p0 $0x3  }
0x6e: {  	_ =	swait.ge @!p0 [sflag:s0], s1  }
0x6f: {  	s1 =	ssub.s32 @!p0 $0x0, s1;
	[sflag:s0] =	ssyncset.done @!p0 $0x0  }
0x70: {  	[sflag:s0] =	ssyncadd.s32 @!p0 s1  }
0x71: {  	[bflag:$0x3] =	sbarrier.arrive $0xFFFF  }
0x72: {  	_ =	shalt  }

</sc_bundles>
